<compile_context>
chip_gen: v7x
topology: tpu7x:2x2x1
jax: 0.10.2.dev20260603
libtpu: 0.0.44.dev20260713+nightly
codegen_flags: <defaults>
</compile_context>

<pallas_src>
import functools

import jax
import jax.numpy as jnp
from jax import lax
from jax.experimental import pallas as pl
from jax.experimental.pallas import tpu as pltpu
from jax.experimental.pallas import tpu_sc as plsc

B, N_PER, E_PER, D, R_PER, C_DIM = 8, 1250, 40000, 128, 625, 4
LANES = 16
STRIPS = E_PER // LANES

_mesh = plsc.VectorSubcoreMesh(core_axis_name="c", subcore_axis_name="s", num_cores=1)


@functools.partial(
    pl.kernel,
    out_type=jax.ShapeDtypeStruct((2 * B * E_PER,), jnp.int32),
    mesh=_mesh,
    scratch_types=[pltpu.VMEM((E_PER,), jnp.int32)],
)
def _edge_merge_sc(e_hbm, out_hbm, buf):
    sid = lax.axis_index("s")
    b = sid // 2
    ep = sid % 2
    off = b * N_PER

    pltpu.sync_copy(e_hbm.at[pl.ds((b * 2 + ep) * E_PER, E_PER)], buf)

    @plsc.parallel_loop(0, STRIPS, unroll=8)
    def _strip(i):
        sl = pl.ds(i * LANES, LANES)
        buf[sl] = buf[sl] + off

    pltpu.sync_copy(buf, out_hbm.at[pl.ds((ep * B + b) * E_PER, E_PER)])


def kernel(x, shift, shape, coupling, edge_index):
    out_e = _edge_merge_sc(edge_index.reshape(B * 2 * E_PER))
    return (
        x.reshape(B * N_PER, D),
        out_e.reshape(2, B * E_PER),
        shift.reshape(B * R_PER),
        shape.reshape(B * R_PER),
        coupling.reshape(B * R_PER, C_DIM),
    )

# --- scband reference (transcript-rebuilt; emitter-appended) ---
"""Pipeline reference for scband-preprocessing-model-87007447482619 (READ-ONLY COPY).

The authoritative reference and input builder live on the scoring server;
editing this copy changes nothing except your own understanding.
"""

import jax, jax.numpy as jnp
import numpy as np

B, N_PER, E_PER, D, R_PER, C_DIM = 8, 1250, 40000, 128, 625, 4


def setup_inputs(seed: int = 0) -> dict:
    key = jax.random.key(seed)
    k1, k2, k3, k4, k5 = jax.random.split(key, 5)
    x = jax.random.normal(k1, (B, N_PER, D), dtype=jnp.float32)
    shift = jax.random.normal(k2, (B, R_PER), dtype=jnp.float32)
    shape = jax.random.normal(k3, (B, R_PER), dtype=jnp.float32)
    coupling = jax.random.normal(k4, (B, R_PER, C_DIM), dtype=jnp.float32)
    edge_index = jax.random.randint(k5, (B, 2, E_PER), 0, N_PER, dtype=jnp.int32)
    return {"x": x, "shift": shift, "shape": shape, "coupling": coupling, "edge_index": edge_index}


def reference(x, shift, shape, coupling, edge_index):
    # merge_batch_to_components: concatenate per-component node sets into one
    # flat node set and re-index edges with per-component node offsets.
    merged_x = x.reshape(B * N_PER, D)
    offsets = (jnp.arange(B) * N_PER).astype(edge_index.dtype)
    merged_edges = (edge_index + offsets[:, None, None]).transpose(1, 0, 2).reshape(2, B * E_PER)
    # tfgnn.keras.layers.Readout(node_set_name='_readout', feature_name=f):
    # reads the named feature directly off the merged '_readout' node set.
    shift_labels = shift.reshape(-1)
    shape_labels = shape.reshape(-1)
    coupling_labels = coupling.reshape(-1, C_DIM)
    # remove_features drops the label features from the graph; the returned
    # graph is (merged node features, merged edge index), labels returned separately.
    return (merged_x, merged_edges, shift_labels, shape_labels, coupling_labels)

if __name__ == "__main__":
    import jax
    _d = setup_inputs()
    print(jax.jit(kernel)(*tuple(_d.values())))

</pallas_src>

<mosaic_0001>
#map = affine_map<(d0, d1) -> (0)>
module attributes {stable_mosaic.version = 14 : i64} {
  func.func @_edge_merge_sc(%arg0: i32, %arg1: i32, %arg2: memref<640000xi32, #tpu.memory_space<hbm>>, %arg3: memref<640000xi32, #tpu.memory_space<hbm>>, %arg4: memref<40000xi32, #tpu.memory_space<vmem>>) attributes {dimension_semantics = [#tpu.dimension_semantics<core_parallel>, #tpu.dimension_semantics<subcore_parallel>], iteration_bounds = array<i64: 1, 16>, scalar_prefetch = 0 : i64, scratch_operands = 1 : i64, tpu.core_type = #tpu.core_type<sc_vector_subcore>, window_params = [{transform_indices = #map}, {transform_indices = #map}]} {
    %jit3A = arith.constant 2 : i32
    %div3A = arith.divsi %arg1, %jit3A : i32
    %sign3A = arith.constant 0 : i32
    %sign3A_0 = arith.cmpi sgt, %arg1, %sign3A : i32
    %sign3A_1 = arith.extui %sign3A_0 : i1 to i32
    %sign3A_2 = arith.constant 0 : i32
    %sign3A_3 = arith.cmpi slt, %arg1, %sign3A_2 : i32
    %sign3A_4 = arith.extui %sign3A_3 : i1 to i32
    %sign3A_5 = arith.subi %sign3A_1, %sign3A_4 : i32
    %sign3A_6 = arith.constant 0 : i32
    %sign3A_7 = arith.cmpi sgt, %jit3A, %sign3A_6 : i32
    %sign3A_8 = arith.extui %sign3A_7 : i1 to i32
    %sign3A_9 = arith.constant 0 : i32
    %sign3A_10 = arith.cmpi slt, %jit3A, %sign3A_9 : i32
    %sign3A_11 = arith.extui %sign3A_10 : i1 to i32
    %sign3A_12 = arith.subi %sign3A_8, %sign3A_11 : i32
    %ne3A = arith.cmpi ne, %sign3A_5, %sign3A_12 : i32
    %rem3A = arith.remsi %arg1, %jit3A : i32
    %ne3A_13 = arith.constant 0 : i32
    %ne3A_14 = arith.cmpi ne, %rem3A, %ne3A_13 : i32
    %and3A = arith.andi %ne3A, %ne3A_14 : i1
    %sub3A = arith.constant 1 : i32
    %sub3A_15 = arith.subi %div3A, %sub3A : i32
    %select_n3A = arith.select %and3A, %sub3A_15, %div3A : i32
    %jit3A_16 = arith.constant 2 : i32
    %eq3A = arith.constant 0 : i32
    %eq3A_17 = arith.cmpi eq, %jit3A_16, %eq3A : i32
    %jit3A_18 = arith.constant 1 : i32
    %select_n3A_19 = arith.select %eq3A_17, %jit3A_18, %jit3A_16 : i32
    %rem3A_20 = arith.remsi %arg1, %select_n3A_19 : i32
    %ne3A_21 = arith.constant 0 : i32
    %ne3A_22 = arith.cmpi ne, %rem3A_20, %ne3A_21 : i32
    %lt3A = arith.constant 0 : i32
    %lt3A_23 = arith.cmpi slt, %rem3A_20, %lt3A : i32
    %lt3A_24 = arith.constant 0 : i32
    %lt3A_25 = arith.cmpi slt, %select_n3A_19, %lt3A_24 : i32
    %ne3A_26 = arith.xori %lt3A_23, %lt3A_25 : i1
    %and3A_27 = arith.andi %ne3A_26, %ne3A_22 : i1
    %add3A = arith.addi %rem3A_20, %select_n3A_19 : i32
    %select_n3A_28 = arith.select %and3A_27, %add3A, %rem3A_20 : i32
    %mul3A = arith.constant 1250 : i32
    %mul3A_29 = arith.muli %select_n3A, %mul3A : i32
    %mul3A_30 = arith.constant 2 : i32
    %mul3A_31 = arith.muli %select_n3A, %mul3A_30 : i32
    %add3A_32 = arith.addi %mul3A_31, %select_n3A_28 : i32
    %mul3A_33 = arith.constant 40000 : i32
    %mul3A_34 = arith.muli %add3A_32, %mul3A_33 : i32
    "tpu.region"() ({
      %run_scoped3A = tpu.sem_alloc : memref<!tpu.dma_semaphore, #tpu.memory_space<semaphore_mem>>
      %dma_start3A = tpu.memref_slice %arg2[%mul3A_34] : memref<640000xi32, #tpu.memory_space<hbm>> -> memref<40000xi32, #tpu.memory_space<hbm>>
      %dma_start3A_42 = tpu.memref_slice %arg2[%mul3A_34] : memref<640000xi32, #tpu.memory_space<hbm>> -> memref<40000xi32, #tpu.memory_space<hbm>>
      tpu.enqueue_dma source(%dma_start3A_42 : memref<40000xi32, #tpu.memory_space<hbm>>) target(%arg4 : memref<40000xi32, #tpu.memory_space<vmem>>) target_semaphore(%run_scoped3A : memref<!tpu.dma_semaphore, #tpu.memory_space<semaphore_mem>>)
      %dma_wait3A = tpu.memref_slice %arg2[%mul3A_34] : memref<640000xi32, #tpu.memory_space<hbm>> -> memref<40000xi32, #tpu.memory_space<hbm>>
      %dma_wait3A_43 = tpu.memref_slice %arg2[%mul3A_34] : memref<640000xi32, #tpu.memory_space<hbm>> -> memref<40000xi32, #tpu.memory_space<hbm>>
      tpu.wait_dma2 semaphore(%run_scoped3A : memref<!tpu.dma_semaphore, #tpu.memory_space<semaphore_mem>>) src(%dma_wait3A_43 : memref<40000xi32, #tpu.memory_space<hbm>>) dst(%arg4 : memref<40000xi32, #tpu.memory_space<vmem>>)
      tpu.yield
    }) : () -> ()
    %parallel_loop3A = arith.constant 0 : i32
    %parallel_loop3A_35 = arith.constant 2500 : i32
    %parallel_loop3A_36 = arith.constant 1 : i32
    scf.for %parallel_loop3A_42 = %parallel_loop3A to %parallel_loop3A_35 step %parallel_loop3A_36  : i32 {
      %parallel_loop3A_43 = arith.constant 16 : i32
      %parallel_loop3A_44 = arith.muli %parallel_loop3A_42, %parallel_loop3A_43 : i32
      %parallel_loop3A_45 = arith.index_cast %parallel_loop3A_44 : i32 to index
      %parallel_loop3A_46 = tpu.vector_load %arg4[%parallel_loop3A_45] {strides = array<i32>} : memref<40000xi32, #tpu.memory_space<vmem>>, vector<16xi32>,
      %parallel_loop3A_47 = vector.shape_cast %parallel_loop3A_46 : vector<16xi32> to vector<16xi32>
      %parallel_loop3A_48 = vector.broadcast %mul3A_29 : i32 to vector<16xi32>
      %parallel_loop3A_49 = arith.addi %parallel_loop3A_47, %parallel_loop3A_48 : vector<16xi32>
      %parallel_loop3A_50 = arith.index_cast %parallel_loop3A_44 : i32 to index
      %parallel_loop3A_51 = tpu.vector_load %arg4[%parallel_loop3A_50] {strides = array<i32>} : memref<40000xi32, #tpu.memory_space<vmem>>, vector<16xi32>,
      %parallel_loop3A_52 = vector.shape_cast %parallel_loop3A_51 : vector<16xi32> to vector<16xi32>
      %parallel_loop3A_53 = vector.shape_cast %parallel_loop3A_49 : vector<16xi32> to vector<16xi32>
      tpu.vector_store %arg4[%parallel_loop3A_50], %parallel_loop3A_53 {strides = array<i32>} : memref<40000xi32, #tpu.memory_space<vmem>>, vector<16xi32>,
    } {sc.loop_unroll_factor = 8 : i64, sc.parallel_access}
    %mul3A_37 = arith.constant 8 : i32
    %mul3A_38 = arith.muli %select_n3A_28, %mul3A_37 : i32
    %add3A_39 = arith.addi %mul3A_38, %select_n3A : i32
    %mul3A_40 = arith.constant 40000 : i32
    %mul3A_41 = arith.muli %add3A_39, %mul3A_40 : i32
    "tpu.region"() ({
      %run_scoped3A = tpu.sem_alloc : memref<!tpu.dma_semaphore, #tpu.memory_space<semaphore_mem>>
      %dma_start3A = tpu.memref_slice %arg3[%mul3A_41] : memref<640000xi32, #tpu.memory_space<hbm>> -> memref<40000xi32, #tpu.memory_space<hbm>>
      %dma_start3A_42 = tpu.memref_slice %arg3[%mul3A_41] : memref<640000xi32, #tpu.memory_space<hbm>> -> memref<40000xi32, #tpu.memory_space<hbm>>
      tpu.enqueue_dma source(%arg4 : memref<40000xi32, #tpu.memory_space<vmem>>) target(%dma_start3A_42 : memref<40000xi32, #tpu.memory_space<hbm>>) target_semaphore(%run_scoped3A : memref<!tpu.dma_semaphore, #tpu.memory_space<semaphore_mem>>)
      %dma_wait3A = tpu.memref_slice %arg3[%mul3A_41] : memref<640000xi32, #tpu.memory_space<hbm>> -> memref<40000xi32, #tpu.memory_space<hbm>>
      %dma_wait3A_43 = tpu.memref_slice %arg3[%mul3A_41] : memref<640000xi32, #tpu.memory_space<hbm>> -> memref<40000xi32, #tpu.memory_space<hbm>>
      tpu.wait_dma2 semaphore(%run_scoped3A : memref<!tpu.dma_semaphore, #tpu.memory_space<semaphore_mem>>) src(%arg4 : memref<40000xi32, #tpu.memory_space<vmem>>) dst(%dma_wait3A_43 : memref<40000xi32, #tpu.memory_space<hbm>>)
      tpu.yield
    }) : () -> ()
    return
  }
}

</mosaic_0001>

<sc_bundles>
// kernel: kernel.3.cloned.1.call-start
scs
__scs_entry_jumppad:
0x0: {  	(pc) =	sbr.rel $0x88, $3  }
0x1: {  	(tag) =	ssettag $0x0;
	lr =	simm.s32 $0x1  }
0x2: {  	[smem:$0x3F9C] =	sst lr;
	_ =	strace $0xD0000000  }
0x3: {  	_ = 	snop  }
0x4: {  	_ = 	snop  }
0x5: {  	_ = 	snop  }
0x6: {  	_ = 	snop  }
0x7: {  	_ = 	snop  }
__scs_overlays_trampoline_lowered:
0x8: {  	[smem:$0x3FAB] =	sst s0  }
0x9: {  	[smem:$0x3FAC] =	sst s1  }
0xa: {  	[smem:$0x3FAD] =	sst s2  }
0xb: {  	[smem:$0x3FAE] =	sst s3  }
0xc: {  	[smem:$0x3FAF] =	sst s4  }
0xd: {  	[smem:$0x3FB0] =	sst s5  }
0xe: {  	[smem:$0x3FB1] =	sst s6  }
0xf: {  	[smem:$0x3FB2] =	sst s7  }
0x10: {  	[smem:$0x3FB3] =	sst s8  }
0x11: {  	[smem:$0x3FB4] =	sst s9;
	s0 =	simm.s32 @!p0 $0x0  }
0x12: {  	s1 =	sld [smem:$0x3F9A];
	s0 =	simm.s32 @p0 $0x1  }
0x13: {  	[smem:$0x3FB5] =	sst s0;
	s0 =	simm.s32 @!p1 $0x0  }
0x14: {  	s2 =	sld [smem:$0x3F99];
	s0 =	simm.s32 @p1 $0x1  }
0x15: {  	[smem:$0x3FB6] =	sst s0;
	s0 =	simm.s32 @!p2 $0x0  }
0x16: {  	s3 =	sld [smem:$0x3FDB];
	s0 =	simm.s32 @p2 $0x1  }
0x17: {  	s4 =	simm.s32 $0x1BF5;
	[smem:$0x3FB8] =	sst s0  }
0x18: {  	s0 =	sld [smem:$0x3F9B];
	_ =	swait.ge [sflag:s4], $0x0  }
0x19: {  	s7 =	sld [smem:$0x3F9C]  }
0x1a: {  	s8 =	sadd.s32 $0xFFFFE003, lr  }
0x1b: {  	s9 =	sadd.s32 $0xFFFFFEF7, lr;
	s5 =	simm.s32 $0xFFFFFFFF;
	p2 =	slt.u32 s8, $0xFFFFF086  }
0x1c: {  	p1 =	slt.u32 s9, $0xF7A;
	s5 =	simm.s32 @!p2 $0x0  }
0x1d: {  	s5 =	simm.s32 @p1 $0x1;
	p0 =	seq.s32 s7, s2  }
0x1e: {  	s7 =	smul.u32 @!p0 $0xF7A, s2;
	p2 =	seq.s32 @!p0 s5, $0x0  }
0x1f: {  	s9 =	smul.u32 $0xF7A, s1;
	s8 =	simm.s32 @!p0 $0x1BF5;
	p2 =	por !p2, p0  }
0x20: {  	[sflag:s8] =	ssyncset.s32 @!p0 $0xFFFFF086;
	s6 =	sadd.s32 @!p0 s3, s7;
	s7 =	simm.s32 @!p0 $0x108  }
0x21: {  	s3 =	sadd.s32 s3, s9;
	s6 =	sadd.s32 @!p0 $0x88, s6;
	s7 =	simm.s32 @p2 $0x1082  }
0x22: {  	[simem:s7], [sflag:s8] =	dma.local @!p0 [hbm:s6], $0xF7A  }
0x23: {  	s9 =	sor.u32 $0xD0000000, s2;
	s6 =	simm.s32 $0x108;
	_ =	swait.ge @!p0 [sflag:s8], $0x0  }
0x24: {  	s3 =	sadd.s32 $0x88, s3;
	s6 =	simm.s32 @!p1 $0x1082;
	[sflag:s4] =	ssyncset.s32 $0xFFFFF086  }
0x25: {  	[simem:s6], [sflag:s4] =	dma.local [hbm:s3], $0xF7A  }
0x26: {  	[smem:$0x3F9C] =	sst s1;
	(tag) =	ssettag s2;
	_ =	strace s9  }
0x27: {  	s1 =	sld [smem:$0x3FAC]  }
0x28: {  	s2 =	sld [smem:$0x3FAD]  }
0x29: {  	s4 =	sld [smem:$0x3FAF]  }
0x2a: {  	p0 =	seq.s32 s5, $0x0;
	s5 =	sld [smem:$0x3FB0]  }
0x2b: {  	s6 =	sld [smem:$0x3FB1]  }
0x2c: {  	s7 =	sld [smem:$0x3FB2]  }
0x2d: {  	s3 =	simm.s32 $0x108;
	s8 =	sld [smem:$0x3FB3]  }
0x2e: {  	s3 =	simm.s32 @!p0 $0x1082;
	s9 =	sld [smem:$0x3FB4]  }
0x2f: {  	lr =	sadd.s32 s0, s3;
	s0 =	sld [smem:$0x3FAB]  }
0x30: {  	s3 =	sld [smem:$0x3FAE]  }
0x31: {  	[smem:$0x3FB7] =	sst s10  }
0x32: {  	s10 =	sld [smem:$0x3FB5];
	_ =	sdelay $0x3  }
0x33: {  	p0 =	seq.s32 s10, $0x1;
	s10 =	sld [smem:$0x3FB7];
	_ =	sdelay $0x3  }
0x34: {  	[smem:$0x3FB7] =	sst s10  }
0x35: {  	s10 =	sld [smem:$0x3FB6];
	_ =	sdelay $0x3  }
0x36: {  	p1 =	seq.s32 s10, $0x1;
	s10 =	sld [smem:$0x3FB7];
	_ =	sdelay $0x3  }
0x37: {  	[smem:$0x3FB7] =	sst s10  }
0x38: {  	s10 =	sld [smem:$0x3FB8]  }
0x39: {  	_ = 	snop;
	(pc) =	sbr.ind lr, $3  }
0x3a: {  	_ = 	snop  }
0x3b: {  	_ = 	snop  }
0x3c: {  	p2 =	seq.s32 s10, $0x1;
	s10 =	sld [smem:$0x3FB7]  }
0x3d: {  	_ =	shalt  }
0x3e: {  	_ =	shalt  }
0x3f: {  	_ =	shalt  }
0x40: {  	_ =	shalt  }
0x41: {  	_ =	shalt  }
0x42: {  	_ =	shalt  }
0x43: {  	_ =	shalt  }
0x44: {  	_ =	shalt  }
0x45: {  	_ =	shalt  }
0x46: {  	_ =	shalt  }
0x47: {  	_ =	shalt  }
0x48: {  	_ =	shalt  }
0x49: {  	_ =	shalt  }
0x4a: {  	_ =	shalt  }
0x4b: {  	_ =	shalt  }
0x4c: {  	_ =	shalt  }
0x4d: {  	_ =	shalt  }
0x4e: {  	_ =	shalt  }
0x4f: {  	_ =	shalt  }
0x50: {  	_ =	shalt  }
0x51: {  	_ =	shalt  }
0x52: {  	_ =	shalt  }
0x53: {  	_ =	shalt  }
0x54: {  	_ =	shalt  }
0x55: {  	_ =	shalt  }
0x56: {  	_ =	shalt  }
0x57: {  	_ =	shalt  }
0x58: {  	_ =	shalt  }
0x59: {  	_ =	shalt  }
0x5a: {  	_ =	shalt  }
0x5b: {  	_ =	shalt  }
0x5c: {  	_ =	shalt  }
0x5d: {  	_ =	shalt  }
0x5e: {  	_ =	shalt  }
0x5f: {  	_ =	shalt  }
0x60: {  	_ =	shalt  }
0x61: {  	_ =	shalt  }
0x62: {  	_ =	shalt  }
0x63: {  	_ =	shalt  }
0x64: {  	_ =	shalt  }
0x65: {  	_ =	shalt  }
0x66: {  	_ =	shalt  }
0x67: {  	_ =	shalt  }
0x68: {  	_ =	shalt  }
0x69: {  	_ =	shalt  }
0x6a: {  	_ =	shalt  }
0x6b: {  	_ =	shalt  }
0x6c: {  	_ =	shalt  }
0x6d: {  	_ =	shalt  }
0x6e: {  	_ =	shalt  }
0x6f: {  	_ =	shalt  }
0x70: {  	_ =	shalt  }
0x71: {  	_ =	shalt  }
0x72: {  	_ =	shalt  }
0x73: {  	_ =	shalt  }
0x74: {  	_ =	shalt  }
0x75: {  	_ =	shalt  }
0x76: {  	_ =	shalt  }
0x77: {  	_ =	shalt  }
0x78: {  	_ =	shalt  }
0x79: {  	_ =	shalt  }
0x7a: {  	_ =	shalt  }
0x7b: {  	_ =	shalt  }
0x7c: {  	_ =	shalt  }
0x7d: {  	_ =	shalt  }
0x7e: {  	_ =	shalt  }
0x7f: {  	_ =	shalt  }
0x80: {  	_ =	shalt  }
0x81: {  	_ =	shalt  }
0x82: {  	_ =	shalt  }
0x83: {  	_ =	shalt  }
0x84: {  	_ =	shalt  }
0x85: {  	_ =	shalt  }
0x86: {  	_ =	shalt  }
0x87: {  	_ =	shalt  }
.Lfunc_end0:
.L_simem_size_0:
called_computation_lowered:
.L_overlay_start_0:
0x88: {  	s0 =	sld [smem:$0x3FD9]  }
0x89: {  	s1 =	sld [smem:$0x3FFE];
	_ =	sdelay $0x3  }
0x8a: {  	s0 =	sadd.s32 s1, s0  }
0x8b: {  	[smem:$0x3FC3] =	sst s0  }
0x8c: {  	_ = 	snop  }
0x8d: {  	s0 =	sld [smem:$0x3FD0];
	_ =	sdelay $0x2  }
0x8e: {  	s13 =	simm.s32 $0xA;
	s2 =	simm.s32 $0x10  }
0x8f: {  	[smem:s2], [sflag:s13] =	dma.local [hbm:s0], $0x1  }
0x90: {  	_ =	swait.eq [sflag:s13], $0x1  }
0x91: {  	[sflag:s13] =	ssyncset.done $0x0  }
0x92: {  	[sflag:s13] =	ssyncadd.s32 $0xFFFFFFFF  }
0x93: {  	s14 =	sld [smem:$0x11];
	(tm) =	ssettm $0x1  }
0x94: {  	s15 =	sld [smem:$0x3FFB];
	_ =	sdelay $0x3  }
0x95: {  	_ =	strace s15  }
0x96: {  	s1 =	sld [smem:$0x3FFC];
	_ =	sdelay $0x3  }
0x97: {  	_ =	strace s1  }
0x98: {  	s1 =	sld [smem:$0x3FFD];
	_ =	sdelay $0x3  }
0x99: {  	_ =	strace s1  }
0x9a: {  	_ =	strace $0x8FFFFFFF  }
0x9b: {  	s16 =	sld [smem:$0x3FDB];
	_ =	sdelay $0x1  }
0x9c: {  	s17 =	simm.s32 $_scs_section_size  }
0x9d: {  	s3 =	simm.s32 $_size__tile_overlayer_lowered;
	s4 =	simm.s32 $_tile_overlayer_lowered  }
0x9e: {  	s20 =	simm.s32 $0x1BFF;
	s19 =	sshll.u32 s4, $0x1;
	s1 =	sadd.s32 s17, s16  }
0x9f: {  	s5 =	simm.s32 $0x0;
	s18 =	sshll.u32 s3, $0x1;
	s3 =	sadd.s32 s19, s1  }
0xa0: {  	[timem:s5], [sflag:s20] =	dma.local [hbm:s3], s18  }
0xa1: {  	_ =	swait.ge [sflag:s20], s18  }
0xa2: {  	s2 =	ssub.s32 $0x0, s18;
	[sflag:s20] =	ssyncset.done $0x0  }
0xa3: {  	[sflag:s20] =	ssyncadd.s32 s2;
	_ =	sdelay $0x1  }
0xa4: {  	s21 =	simm.s32 $0x1B8B  }
0xa5: {  	_ =	swait.ge [sflag:s21], $0x1  }
0xa6: {  	[sflag:s21] =	ssyncset.done $0x0  }
0xa7: {  	s23 =	simm.s32 $0x1B8E;
	s22 =	sld [smem:$0x3FFE];
	[sflag:s21] =	ssyncadd.s32 $0xFFFFFFFF  }
0xa8: {  	s24 =	simm.s32 $execute0_lowered;
	[smem:$0x3FD2] =	sst s23  }
0xa9: {  	s3 =	sshll.u32 s24, $0x1;
	_ =	strace $0x80000046;
	[dreg:$0x1] =	wrdreg $0xFFFFFFFF  }
0xaa: {  	s25 =	simm.s32 $_size_execute0_lowered;
	s1 =	sadd.s32 s1, s3;
	[dreg:$0x0] =	wrdreg $0x0  }
0xab: {  	s3 =	sshll.u32 s25, $0x1;
	[dreg:$0x2] =	wrdreg s1  }
0xac: {  	[dreg:$0x3] =	wrdreg s3  }
0xad: {  	[dreg:$0x4] =	wrdreg $0xC0  }
0xae: {  	_ =	task [dreg:s5], $0x5FFFF  }
0xaf: {  	[dreg:$0x1] =	wrdreg $0xFFFFFFFF  }
0xb0: {  	[dreg:$0x0] =	wrdreg $0x60  }
0xb1: {  	[dreg:$0x2] =	wrdreg s14  }
0xb2: {  	[dreg:$0x3] =	wrdreg s22  }
0xb3: {  	[dreg:$0x4] =	wrdreg $0x9  }
0xb4: {  	_ =	task.clear_ibuf [dreg:s5], $0x5FFFF;
	_ =	strace $0x90000046  }
0xb5: {  	s26 =	simm.s32 $0x9;
	_ =	strace $0x80000048  }
0xb6: {  	_ =	swait.ge [sflag:s26], $0x1  }
0xb7: {  	[sflag:s26] =	ssyncadd.s32 $0xFFFFFFFF  }
0xb8: {  	_ =	strace $0x90000048  }
0xb9: {  	_ =	sfence  }
0xba: {  	s28 =	sld [smem:$0x0];
	_ =	sdelay $0x1  }
0xbb: {  	s29 =	srdreg.scid  }
0xbc: {  	s30 =	sshll.u32 s29, $0xD;
	s31 =	sshrl.u32 s29, $0x2  }
0xbd: {  	s2 =	sand.u32 $0x4000, s30;
	s1 =	sand.u32 $0x1, s29;
	s0 =	sadd.s32 s31, s28  }
0xbe: {  	s1 =	sor.u32 s2, s1;
	s0 =	sshll.u32 s0, $0x11  }
0xbf: {  	s0 =	sor.u32 s0, s1  }
0xc0: {  	s0 =	sadd.s32 $0x8F2B, s0  }
0xc1: {  	[sflag:s0] =	ssyncadd.remote.s32 $0x1  }
0xc2: {  	_ =	sfence.sel $0xFFFF  }
0xc3: {  	[dreg:$0x0] =	wrdreg $0xFFFFFFFF;
	(pc) =	sbr.abs _section_cstart, $3  }
0xc4: {  	[dreg:$0x1] =	wrdreg $0xFFFFFFFF  }
0xc5: {  	_ =	task.clear_ibuf [dreg:s5], $0x2FFFF;
	_ =	strace $0x9FFFFFFF  }
0xc6: {  	(tm) =	ssettm $0x7FFFFFFF  }
0xc7: {  	_ =	shalt  }
tec
execute0_lowered:
.L_overlay_start_1:
0x0: {  	(tag) =	ssettag $0x1  }
0x1: {  	s2 =	rddreg [dreg:$0x0]  }
0x2: {  	s3 =	rddreg [dreg:$0x1];
	s1 =	stileid.u32  }
0x3: {  	s0 =	rddreg [dreg:$0x2];
	s4 =	simm.s32 $0x0;
	s5 =	smul.u32 $0x1388, s1  }
0x4: {  	[smem:$0x7FF] =	sst s4  }
0x5: {  	s30 =	simm.s32 $0x1;
	_ =	strace $0x80000047;
	s2 =	sadd.s32 s2, s5  }
0x6: {  	[tilespmem:s4], [sflag:$0x1] =	stream.linear.gather [hbm4b:s2+s4], $0x9C40, $0x38;
	[tilespmem:$0x9C80] =	vst v63  }
0x7: {  	_ =	swait.ge [sflag:s30], $0x9C40  }
0x8: {  	[sflag:s30] =	ssyncset.done $0x0  }
0x9: {  	s4 =	simm.s32 $0x40;
	[sflag:s30] =	ssyncadd.s32 $0xFFFF63C0  }
0xa: {  	v4 =	vld [tilespmem:s4+$0x30]  }
0xb: {  	s2 =	sshrl.u32 s1, $0x1;
	v5 =	vld [tilespmem:s4+$0xFFFFFFD0]  }
0xc: {  	s31 =	smul.u32 $0x4E2, s2;
	v6 =	vld [tilespmem:s4+$0xFFFFFFE0]  }
0xd: {  	v3 =	vld [tilespmem:s4+$0xFFFFFFF0]  }
0xe: {  	v0 =	vmov s31;
	v2 =	vld [tilespmem:s4+$0x0]  }
0xf: {  	v1 =	vld [tilespmem:s4+$0x10];
	v7 =	vadd.s32 v0, v4  }
0x10: {  	v8 =	vadd.s32 v0, v5;
	v4 =	vld [tilespmem:s4+$0x20];
	[tilespmem:s4+$0x30] =	vst v7  }
0x11: {  	s6 =	simm.s32 $0xC0;
	s3 =	sadd.s32 $0x1200, s3;
	s5 =	simm.s32 $0x0;
	v5 =	vld [tilespmem:s4+$0xFFFFFFC0];
	v6 =	vadd.s32 v0, v6;
	[tilespmem:s4+$0xFFFFFFD0] =	vst v8  }
.LBB2_1:
0x12: {  	v7 =	vld [tilespmem:s6+$0x30];
	s5 =	sadd.s32 $0x8, s5;
	[tilespmem:s4+$0xFFFFFFE0] =	vst v6;
	v3 =	vadd.s32 v0, v3  }
0x13: {  	v6 =	vld [tilespmem:s6+$0xFFFFFFD0];
	p0 =	slt.u32 s5, $0x9B8;
	[tilespmem:s4+$0xFFFFFFF0] =	vst v3;
	v2 =	vadd.s32 v0, v2  }
0x14: {  	v8 =	vld [tilespmem:s6+$0xFFFFFFE0];
	[tilespmem:s4+$0x0] =	vst v2;
	v1 =	vadd.s32 v0, v1  }
.Ltmp0:
0x15: {  	v3 =	vld [tilespmem:s6+$0xFFFFFFF0];
	[tilespmem:s4+$0x10] =	vst v1;
	v1 =	vadd.s32 v0, v4;
	(pc) =	sbr.rel @p0 .LBB2_1-.Ltmp0, $4  }
0x16: {  	v2 =	vld [tilespmem:s6+$0x0];
	v4 =	vadd.s32 v0, v5;
	[tilespmem:s4+$0x20] =	vst v1  }
0x17: {  	v1 =	vld [tilespmem:s6+$0x10];
	v5 =	vadd.s32 v0, v7;
	[tilespmem:s4+$0xFFFFFFC0] =	vst v4;
	s4 =	smov.u32 s6  }
0x18: {  	v6 =	vadd.s32 v0, v6;
	v4 =	vld [tilespmem:s6+$0x20];
	[tilespmem:s6+$0x30] =	vst v5  }
0x19: {  	s6 =	sadd.s32 $0x80, s6;
	v5 =	vld [tilespmem:s4+$0xFFFFFFC0];
	[tilespmem:s4+$0xFFFFFFD0] =	vst v6;
	v6 =	vadd.s32 v0, v8  }
0x1a: {  	[tilespmem:s4+$0xFFFFFFE0] =	vst v6;
	v3 =	vadd.s32 v0, v3  }
0x1b: {  	[tilespmem:s4+$0xFFFFFFF0] =	vst v3;
	v2 =	vadd.s32 v0, v2  }
0x1c: {  	[tilespmem:s4+$0x0] =	vst v2;
	v1 =	vadd.s32 v0, v1  }
0x1d: {  	[tilespmem:s4+$0x10] =	vst v1;
	v1 =	vadd.s32 v0, v4  }
0x1e: {  	v2 =	vadd.s32 v0, v5;
	[tilespmem:s4+$0x20] =	vst v1  }
0x1f: {  	[tilespmem:s4+$0xFFFFFFC0] =	vst v2;
	s4 =	simm.s32 $0x0  }
.LBB2_3:
0x20: {  	s5 =	sshra.s32 s4, $0x2  }
0x21: {  	v1 =	vld [tilespmem:s5+$0x9C00]  }
0x22: {  	p0 =	sne.s32 s4, $0xC0  }
.Ltmp1:
0x23: {  	_ = 	snop;
	(pc) =	sbr.rel @p0 .LBB2_3-.Ltmp1, $3  }
0x24: {  	_ =	sdelay $0x1  }
0x25: {  	v1 =	vadd.s32 v0, v1  }
0x26: {  	s4 =	sadd.s32 $0x40, s4;
	[tilespmem:s5+$0x9C00] =	vst v1  }
0x27: {  	s4 =	sshll.u32 s1, $0x3  }
0x28: {  	s4 =	sand.u32 $0x8, s4  }
0x29: {  	s2 =	sor.u32 s2, s4  }
0x2a: {  	s2 =	smul.u32 $0x1388, s2;
	_ =	sdelay $0x1  }
0x2b: {  	s30 =	simm.s32 $0x0;
	s31 =	simm.s32 $0x1;
	s2 =	sadd.s32 s3, s2  }
0x2c: {  	[hbm4b:s2+s30] =	stream.linear.scatter [tilespmem:s30], [sflag:$0x1], $0x9C40, $0x38;
	[tilespmem:$0x9C80] =	vst v63  }
0x2d: {  	_ =	swait.ge [sflag:s31], $0x9C40  }
0x2e: {  	[sflag:s31] =	ssyncset.done $0x0  }
0x2f: {  	[sflag:s31] =	ssyncadd.s32 $0xFFFF63C0  }
0x30: {  	_ =	sfence.sel $0x180000  }
0x31: {  	[bflag:$0x0] =	sbarrier.arrive $0xFFFF  }
0x32: {  	p0 =	sne.s32 s1, $0x0;
	_ =	strace $0x90000047  }
0x33: {  	s0 =	sadd.s32 @!p0 $0x100000, s0;
	[bflag:$0x2] =	sbarrier.arrive $0xFFFF  }
0x34: {  	[sflag:s0] =	ssyncadd.tile.s32 @!p0 $0x1;
	_ =	shalt  }
.Lfunc_end2:
_tile_overlayer_lowered:
.L_overlay_start_2:
0x35: {  	(tag) =	ssettag $0x2  }
0x36: {  	s0 =	rddreg [dreg:$0x0];
	s2 =	stileid.u32  }
0x37: {  	s1 =	rddreg [dreg:$0x1];
	p0 =	sne.s32 s2, $0x0  }
0x38: {  	s3 =	rddreg [dreg:$0x2];
	[bflag:$0x3] =	sbarrier.arrive $0xFFFF;
	s2 =	simm.s32 @!p0 $0x1C01  }
0x39: {  	[timem:s3], [sflag:s2] =	dma.local @!p0 [hbm:s0], s1  }
0x3a: {  	s0 =	simm.s32 @!p0 $0x1  }
0x3b: {  	_ =	swait.ge @!p0 [sflag:s0], s1  }
0x3c: {  	s1 =	ssub.s32 @!p0 $0x0, s1;
	[sflag:s0] =	ssyncset.done @!p0 $0x0  }
0x3d: {  	[sflag:s0] =	ssyncadd.s32 @!p0 s1  }
0x3e: {  	[bflag:$0x3] =	sbarrier.arrive $0xFFFF  }
0x3f: {  	_ =	shalt  }

</sc_bundles>
